<compile_context>
chip_gen: v7x
topology: tpu7x:2x2x1
jax: 0.10.2.dev20260603
libtpu: 0.0.44.dev20260713+nightly
codegen_flags: <defaults>
</compile_context>

<pallas_src>
import jax
import jax.numpy as jnp
from jax.experimental import pallas as pl
from jax.experimental.pallas import tpu as pltpu
from jax.experimental.pallas import tpu_sc as plsc

NEGINF = -1e20


def _score_body(q_ref, t_ref, e1_ref, w1_ref, b1_ref, w2_ref, b2_ref,
                out_ref):
    h = q_ref.shape[1]
    pro = (
        jnp.dot(q_ref[...], w1_ref[:h, :], preferred_element_type=jnp.float32)
        + jnp.dot(t_ref[...], w1_ref[h:, :], preferred_element_type=jnp.float32)
        + b1_ref[...]
    )
    v = jax.lax.dot_general(
        pro, w2_ref[...], (((1,), (1,)), ((), ())),
        preferred_element_type=jnp.float32,
    )
    sb = jnp.sum(pro * b2_ref[...], axis=1)
    out_ref[...] = jnp.sum(e1_ref[...] * v[:, None, :], axis=-1) + sb[:, None]


def _scores(q, tracked, e1, W1, b1, W2, b2):
    n, k, _ = e1.shape
    return pl.pallas_call(
        _score_body,
        out_shape=jax.ShapeDtypeStruct((n, k), jnp.float32),
    )(q, tracked, e1, W1, b1.reshape(1, -1), W2, b2.reshape(1, -1))


def _gathers(idx_flat, idx_row, enc0_flat, e1_flat, pool_flat):
    nkt, h = enc0_flat.shape
    b = idx_flat.shape[0]
    nrow = idx_row.shape[0]
    tt = pool_flat.shape[1]
    mesh = plsc.VectorSubcoreMesh(core_axis_name="core",
                                  subcore_axis_name="subcore")
    nw = mesh.num_cores * mesh.num_subcores
    bpw = b // nw
    half = bpw // 2

    def body(idx_hbm, idxr_hbm, enc0_hbm, e1_hbm, pool_hbm,
             out_enc, out_use, out_pool,
             idx_v, rows_v, idxr_v, use_v, pool_v, sem0, sem1):
        core = jax.lax.axis_index("core")
        sub = jax.lax.axis_index("subcore")
        wid = sub * mesh.num_cores + core
        base = wid * bpw
        pltpu.sync_copy(idx_hbm.at[pl.ds(base, bpw)], idx_v)
        if True:
            c0 = pltpu.make_async_copy(enc0_hbm.at[idx_v.at[pl.ds(0, half)]],
                                       rows_v.at[pl.ds(0, half)], sem0)
            c1 = pltpu.make_async_copy(
                enc0_hbm.at[idx_v.at[pl.ds(half, half)]],
                rows_v.at[pl.ds(half, half)], sem1)
            c0.start()
            c1.start()
            c0.wait()
            pltpu.sync_copy(rows_v.at[pl.ds(0, half)],
                            out_enc.at[pl.ds(base, half)])
            c1.wait()
            pltpu.sync_copy(rows_v.at[pl.ds(half, half)],
                            out_enc.at[pl.ds(base + half, half)])

        @pl.when(wid == 0)
        def _small():
            pltpu.sync_copy(idxr_hbm, idxr_v)
            pltpu.async_copy(e1_hbm.at[idxr_v], use_v, sem0).wait()
            pltpu.sync_copy(use_v, out_use)
            pltpu.async_copy(pool_hbm.at[idxr_v], pool_v, sem0).wait()
            pltpu.sync_copy(pool_v, out_pool)

    out_type = (
        jax.ShapeDtypeStruct((b, h), jnp.float32),
        jax.ShapeDtypeStruct((nrow, h), jnp.float32),
        jax.ShapeDtypeStruct((nrow, tt), jnp.int32),
    )
    scratch = [
        pltpu.VMEM((bpw,), jnp.int32),
        pltpu.VMEM((bpw, h), jnp.float32),
        pltpu.VMEM((nrow,), jnp.int32),
        pltpu.VMEM((nrow, h), jnp.float32),
        pltpu.VMEM((nrow, tt), jnp.int32),
        pltpu.SemaphoreType.DMA,
        pltpu.SemaphoreType.DMA,
    ]
    return pl.kernel(body, out_type=out_type, mesh=mesh,
                     scratch_types=scratch)(idx_flat, idx_row, enc0_flat,
                                            e1_flat, pool_flat)


def kernel(contexts_encoded_use, tracked_knowledge_use,
           knowledge_shifting_pool_encoded0, knowledge_shifting_pool_encoded1,
           knowledge_shifting_pool_mask, shifting_ck_mask,
           knowledge_shifting_label, knowledge_shifting_pool,
           W1, b1, W2, b2):
    n, k, t, h = knowledge_shifting_pool_encoded0.shape
    q = contexts_encoded_use[:, 2, :]

    idx_row = (jnp.arange(n, dtype=jnp.int32) * k
               + knowledge_shifting_label)
    idx_flat = (idx_row[:, None] * t
                + jnp.arange(t, dtype=jnp.int32)[None, :]).reshape(-1)

    enc_flat, use, pool_o = _gathers(
        idx_flat, idx_row,
        knowledge_shifting_pool_encoded0.reshape(n * k * t, h),
        knowledge_shifting_pool_encoded1.reshape(n * k, h),
        knowledge_shifting_pool.reshape(n * k, t))
    score = _scores(q, tracked_knowledge_use, knowledge_shifting_pool_encoded1,
                    W1, b1, W2, b2)

    mask_o = jnp.ones((n, t), dtype=bool)
    return (score, enc_flat.reshape(n, t, h), mask_o, use, pool_o)

# --- scband reference (transcript-rebuilt; emitter-appended) ---
"""Pipeline reference for scband-duke-net-61546881351882 (READ-ONLY COPY).

The authoritative reference and input builder live on the scoring server;
editing this copy changes nothing except your own understanding.
"""

import jax, jax.numpy as jnp
import numpy as np

NEGINF = -1e20


def setup_inputs(seed: int = 0) -> dict:
    key = jax.random.key(seed)
    N, K, T, H = 16, 32, 128, 1024
    ks = jax.random.split(key, 8)
    contexts_encoded_use = jax.random.normal(ks[0], (N, 3, H), dtype=jnp.float32)
    tracked_knowledge_use = jax.random.normal(ks[1], (N, H), dtype=jnp.float32)
    knowledge_shifting_pool_encoded0 = jax.random.normal(ks[2], (N, K, T, H), dtype=jnp.float32)
    knowledge_shifting_pool_encoded1 = jax.random.normal(ks[3], (N, K, H), dtype=jnp.float32)
    knowledge_shifting_pool_mask = jnp.ones((N, K, T), dtype=bool)
    shifting_ck_mask = jnp.ones((N, K), dtype=bool)
    knowledge_shifting_label = jax.random.randint(ks[4], (N,), 0, K, dtype=jnp.int32)
    knowledge_shifting_pool = jax.random.randint(ks[5], (N, K, T), 0, 30000, dtype=jnp.int32)
    W1 = jax.random.normal(ks[6], (2 * H, H), dtype=jnp.float32) * 0.02
    b1 = jnp.zeros((H,), jnp.float32)
    W2 = jax.random.normal(ks[7], (H, H), dtype=jnp.float32) * 0.02
    b2 = jnp.zeros((H,), jnp.float32)
    return {
        'contexts_encoded_use': contexts_encoded_use,
        'tracked_knowledge_use': tracked_knowledge_use,
        'knowledge_shifting_pool_encoded0': knowledge_shifting_pool_encoded0,
        'knowledge_shifting_pool_encoded1': knowledge_shifting_pool_encoded1,
        'knowledge_shifting_pool_mask': knowledge_shifting_pool_mask,
        'shifting_ck_mask': shifting_ck_mask,
        'knowledge_shifting_label': knowledge_shifting_label,
        'knowledge_shifting_pool': knowledge_shifting_pool,
        'W1': W1, 'b1': b1, 'W2': W2, 'b2': b2,
    }


def reference(contexts_encoded_use, tracked_knowledge_use,
              knowledge_shifting_pool_encoded0, knowledge_shifting_pool_encoded1,
              knowledge_shifting_pool_mask, shifting_ck_mask,
              knowledge_shifting_label, knowledge_shifting_pool,
              W1, b1, W2, b2):
    N, K, T, H = knowledge_shifting_pool_encoded0.shape
    # query vector is row 2 of the contexts pooled encoding
    query_use = contexts_encoded_use[:, 2, :]
    con_query_know_use = jnp.concatenate([query_use, tracked_knowledge_use], axis=1)
    con_query_know_use_pro = con_query_know_use @ W1 + b1  # [N, H]
    pool_use_pro = jnp.einsum('nkh,hd->nkd', knowledge_shifting_pool_encoded1, W2) + b2  # [N, K, H]
    # bmm([N,K,H], [N,H,1]) -> [N,K]
    knowledge_shifting_score = jnp.einsum('nkd,nd->nk', pool_use_pro, con_query_know_use_pro)
    knowledge_shifting_score = jnp.where(shifting_ck_mask, knowledge_shifting_score, NEGINF)
    # mode == 'train': use labels as selected ids
    knowledge_shifting_ids = knowledge_shifting_label
    offsets = jnp.arange(N, dtype=jnp.int32) * K + knowledge_shifting_ids
    flat_use = knowledge_shifting_pool_encoded1.reshape(N * K, H)
    shifted_knowledge_use = jnp.take(flat_use, offsets, axis=0)
    shifted_knowledge_encoded = jnp.take(knowledge_shifting_pool_encoded0.reshape(N * K, T, H), offsets, axis=0)
    shifted_knowledge_mask = jnp.take(knowledge_shifting_pool_mask.reshape(N * K, T), offsets, axis=0)
    shifted_knowledge_shifting_index = jnp.take(knowledge_shifting_pool.reshape(N * K, T), offsets, axis=0)
    return (knowledge_shifting_score, shifted_knowledge_encoded, shifted_knowledge_mask,
            shifted_knowledge_use, shifted_knowledge_shifting_index)

if __name__ == "__main__":
    import jax
    _d = setup_inputs()
    print(jax.jit(kernel)(*tuple(_d.values())))

</pallas_src>

<mosaic_0001>
#map = affine_map<(d0, d1) -> (0)>
#map1 = affine_map<(d0, d1) -> (0, 0)>
module attributes {stable_mosaic.version = 14 : i64} {
  func.func @body(%arg0: i32, %arg1: i32, %arg2: memref<2048xi32, #tpu.memory_space<hbm>>, %arg3: memref<16xi32, #tpu.memory_space<hbm>>, %arg4: memref<65536x1024xf32, #tpu.memory_space<hbm>>, %arg5: memref<512x1024xf32, #tpu.memory_space<hbm>>, %arg6: memref<512x128xi32, #tpu.memory_space<hbm>>, %arg7: memref<2048x1024xf32, #tpu.memory_space<hbm>>, %arg8: memref<16x1024xf32, #tpu.memory_space<hbm>>, %arg9: memref<16x128xi32, #tpu.memory_space<hbm>>, %arg10: memref<64xi32, #tpu.memory_space<vmem>>, %arg11: memref<64x1024xf32, #tpu.memory_space<vmem>>, %arg12: memref<16xi32, #tpu.memory_space<vmem>>, %arg13: memref<16x1024xf32, #tpu.memory_space<vmem>>, %arg14: memref<16x128xi32, #tpu.memory_space<vmem>>, %arg15: memref<!tpu.dma_semaphore, #tpu.memory_space<semaphore_mem>>, %arg16: memref<!tpu.dma_semaphore, #tpu.memory_space<semaphore_mem>>) attributes {dimension_semantics = [#tpu.dimension_semantics<core_parallel>, #tpu.dimension_semantics<subcore_parallel>], iteration_bounds = array<i64: 2, 16>, scalar_prefetch = 0 : i64, scratch_operands = 7 : i64, tpu.core_type = #tpu.core_type<sc_vector_subcore>, window_params = [{transform_indices = #map}, {transform_indices = #map}, {transform_indices = #map1}, {transform_indices = #map1}, {transform_indices = #map1}, {transform_indices = #map1}, {transform_indices = #map1}, {transform_indices = #map1}]} {
    %mul3A = arith.constant 2 : i32
    %mul3A_0 = arith.muli %arg1, %mul3A : i32
    %add3A = arith.addi %mul3A_0, %arg0 : i32
    %mul3A_1 = arith.constant 64 : i32
    %mul3A_2 = arith.muli %add3A, %mul3A_1 : i32
    "tpu.region"() ({
      %run_scoped3A = tpu.sem_alloc : memref<!tpu.dma_semaphore, #tpu.memory_space<semaphore_mem>>
      %dma_start3A_37 = tpu.memref_slice %arg2[%mul3A_2] : memref<2048xi32, #tpu.memory_space<hbm>> -> memref<64xi32, #tpu.memory_space<hbm>>
      %dma_start3A_38 = tpu.memref_slice %arg2[%mul3A_2] : memref<2048xi32, #tpu.memory_space<hbm>> -> memref<64xi32, #tpu.memory_space<hbm>>
      tpu.enqueue_dma source(%dma_start3A_38 : memref<64xi32, #tpu.memory_space<hbm>>) target(%arg10 : memref<64xi32, #tpu.memory_space<vmem>>) target_semaphore(%run_scoped3A : memref<!tpu.dma_semaphore, #tpu.memory_space<semaphore_mem>>)
      %dma_wait3A_39 = tpu.memref_slice %arg2[%mul3A_2] : memref<2048xi32, #tpu.memory_space<hbm>> -> memref<64xi32, #tpu.memory_space<hbm>>
      %dma_wait3A_40 = tpu.memref_slice %arg2[%mul3A_2] : memref<2048xi32, #tpu.memory_space<hbm>> -> memref<64xi32, #tpu.memory_space<hbm>>
      tpu.wait_dma2 semaphore(%run_scoped3A : memref<!tpu.dma_semaphore, #tpu.memory_space<semaphore_mem>>) src(%dma_wait3A_40 : memref<64xi32, #tpu.memory_space<hbm>>) dst(%arg10 : memref<64xi32, #tpu.memory_space<vmem>>)
      tpu.yield
    }) : () -> ()
    %dma_start3A = arith.constant 0 : i32
    %dma_start3A_3 = arith.constant 0 : i32
    %dma_start3A_4 = tpu.memref_slice %arg11[%dma_start3A, %dma_start3A_3] : memref<64x1024xf32, #tpu.memory_space<vmem>> -> memref<32x1024xf32, #tpu.memory_space<vmem>>
    %dma_start3A_5 = arith.constant 0 : i32
    %dma_start3A_6 = tpu.memref_slice %arg10[%dma_start3A_5] : memref<64xi32, #tpu.memory_space<vmem>> -> memref<32xi32, #tpu.memory_space<vmem>>
    %dma_start3A_7 = arith.constant 0 : i32
    %dma_start3A_8 = arith.constant 0 : i32
    %dma_start3A_9 = tpu.memref_slice %arg4[%dma_start3A_7, %dma_start3A_8] : memref<65536x1024xf32, #tpu.memory_space<hbm>> -> memref<65536x1024xf32, #tpu.memory_space<hbm>>
    tpu.enqueue_indirect_dma source(%dma_start3A_9 : memref<65536x1024xf32, #tpu.memory_space<hbm>>) target(%dma_start3A_4 : memref<32x1024xf32, #tpu.memory_space<vmem>>) offsets(%dma_start3A_6 : memref<32xi32, #tpu.memory_space<vmem>>) semaphore(%arg15 : memref<!tpu.dma_semaphore, #tpu.memory_space<semaphore_mem>>)
    %dma_start3A_10 = arith.constant 32 : i32
    %dma_start3A_11 = arith.constant 0 : i32
    %dma_start3A_12 = tpu.memref_slice %arg11[%dma_start3A_10, %dma_start3A_11] : memref<64x1024xf32, #tpu.memory_space<vmem>> -> memref<32x1024xf32, #tpu.memory_space<vmem>>
    %dma_start3A_13 = arith.constant 32 : i32
    %dma_start3A_14 = tpu.memref_slice %arg10[%dma_start3A_13] : memref<64xi32, #tpu.memory_space<vmem>> -> memref<32xi32, #tpu.memory_space<vmem>>
    %dma_start3A_15 = arith.constant 0 : i32
    %dma_start3A_16 = arith.constant 0 : i32
    %dma_start3A_17 = tpu.memref_slice %arg4[%dma_start3A_15, %dma_start3A_16] : memref<65536x1024xf32, #tpu.memory_space<hbm>> -> memref<65536x1024xf32, #tpu.memory_space<hbm>>
    tpu.enqueue_indirect_dma source(%dma_start3A_17 : memref<65536x1024xf32, #tpu.memory_space<hbm>>) target(%dma_start3A_12 : memref<32x1024xf32, #tpu.memory_space<vmem>>) offsets(%dma_start3A_14 : memref<32xi32, #tpu.memory_space<vmem>>) semaphore(%arg16 : memref<!tpu.dma_semaphore, #tpu.memory_space<semaphore_mem>>)
    %dma_wait3A = arith.constant 0 : i32
    %dma_wait3A_18 = arith.constant 0 : i32
    %dma_wait3A_19 = tpu.memref_slice %arg11[%dma_wait3A, %dma_wait3A_18] : memref<64x1024xf32, #tpu.memory_space<vmem>> -> memref<32x1024xf32, #tpu.memory_space<vmem>>
    %dma_wait3A_20 = arith.constant 0 : i32
    %dma_wait3A_21 = tpu.memref_slice %arg10[%dma_wait3A_20] : memref<64xi32, #tpu.memory_space<vmem>> -> memref<32xi32, #tpu.memory_space<vmem>>
    %dma_wait3A_22 = arith.constant 0 : i32
    %dma_wait3A_23 = arith.constant 0 : i32
    %dma_wait3A_24 = tpu.memref_slice %arg4[%dma_wait3A_22, %dma_wait3A_23] : memref<65536x1024xf32, #tpu.memory_space<hbm>> -> memref<65536x1024xf32, #tpu.memory_space<hbm>>
    tpu.wait_indirect_dma semaphore(%arg15 : memref<!tpu.dma_semaphore, #tpu.memory_space<semaphore_mem>>) src(%dma_wait3A_24 : memref<65536x1024xf32, #tpu.memory_space<hbm>>) dst(%dma_wait3A_19 : memref<32x1024xf32, #tpu.memory_space<vmem>>)
    "tpu.region"() ({
      %run_scoped3A = tpu.sem_alloc : memref<!tpu.dma_semaphore, #tpu.memory_space<semaphore_mem>>
      %dma_start3A_37 = arith.constant 0 : i32
      %dma_start3A_38 = arith.constant 0 : i32
      %dma_start3A_39 = tpu.memref_slice %arg11[%dma_start3A_37, %dma_start3A_38] : memref<64x1024xf32, #tpu.memory_space<vmem>> -> memref<32x1024xf32, #tpu.memory_space<vmem>>
      %dma_start3A_40 = arith.constant 0 : i32
      %dma_start3A_41 = tpu.memref_slice %arg7[%mul3A_2, %dma_start3A_40] : memref<2048x1024xf32, #tpu.memory_space<hbm>> -> memref<32x1024xf32, #tpu.memory_space<hbm>>
      %dma_start3A_42 = arith.constant 0 : i32
      %dma_start3A_43 = tpu.memref_slice %arg7[%mul3A_2, %dma_start3A_42] : memref<2048x1024xf32, #tpu.memory_space<hbm>> -> memref<32x1024xf32, #tpu.memory_space<hbm>>
      %dma_start3A_44 = arith.constant 0 : i32
      %dma_start3A_45 = arith.constant 0 : i32
      %dma_start3A_46 = tpu.memref_slice %arg11[%dma_start3A_44, %dma_start3A_45] : memref<64x1024xf32, #tpu.memory_space<vmem>> -> memref<32x1024xf32, #tpu.memory_space<vmem>>
      tpu.enqueue_dma source(%dma_start3A_46 : memref<32x1024xf32, #tpu.memory_space<vmem>>) target(%dma_start3A_43 : memref<32x1024xf32, #tpu.memory_space<hbm>>) target_semaphore(%run_scoped3A : memref<!tpu.dma_semaphore, #tpu.memory_space<semaphore_mem>>)
      %dma_wait3A_47 = arith.constant 0 : i32
      %dma_wait3A_48 = arith.constant 0 : i32
      %dma_wait3A_49 = tpu.memref_slice %arg11[%dma_wait3A_47, %dma_wait3A_48] : memref<64x1024xf32, #tpu.memory_space<vmem>> -> memref<32x1024xf32, #tpu.memory_space<vmem>>
      %dma_wait3A_50 = arith.constant 0 : i32
      %dma_wait3A_51 = tpu.memref_slice %arg7[%mul3A_2, %dma_wait3A_50] : memref<2048x1024xf32, #tpu.memory_space<hbm>> -> memref<32x1024xf32, #tpu.memory_space<hbm>>
      %dma_wait3A_52 = arith.constant 0 : i32
      %dma_wait3A_53 = tpu.memref_slice %arg7[%mul3A_2, %dma_wait3A_52] : memref<2048x1024xf32, #tpu.memory_space<hbm>> -> memref<32x1024xf32, #tpu.memory_space<hbm>>
      %dma_wait3A_54 = arith.constant 0 : i32
      %dma_wait3A_55 = arith.constant 0 : i32
      %dma_wait3A_56 = tpu.memref_slice %arg11[%dma_wait3A_54, %dma_wait3A_55] : memref<64x1024xf32, #tpu.memory_space<vmem>> -> memref<32x1024xf32, #tpu.memory_space<vmem>>
      tpu.wait_dma2 semaphore(%run_scoped3A : memref<!tpu.dma_semaphore, #tpu.memory_space<semaphore_mem>>) src(%dma_wait3A_56 : memref<32x1024xf32, #tpu.memory_space<vmem>>) dst(%dma_wait3A_53 : memref<32x1024xf32, #tpu.memory_space<hbm>>)
      tpu.yield
    }) : () -> ()
    %dma_wait3A_25 = arith.constant 32 : i32
    %dma_wait3A_26 = arith.constant 0 : i32
    %dma_wait3A_27 = tpu.memref_slice %arg11[%dma_wait3A_25, %dma_wait3A_26] : memref<64x1024xf32, #tpu.memory_space<vmem>> -> memref<32x1024xf32, #tpu.memory_space<vmem>>
    %dma_wait3A_28 = arith.constant 32 : i32
    %dma_wait3A_29 = tpu.memref_slice %arg10[%dma_wait3A_28] : memref<64xi32, #tpu.memory_space<vmem>> -> memref<32xi32, #tpu.memory_space<vmem>>
    %dma_wait3A_30 = arith.constant 0 : i32
    %dma_wait3A_31 = arith.constant 0 : i32
    %dma_wait3A_32 = tpu.memref_slice %arg4[%dma_wait3A_30, %dma_wait3A_31] : memref<65536x1024xf32, #tpu.memory_space<hbm>> -> memref<65536x1024xf32, #tpu.memory_space<hbm>>
    tpu.wait_indirect_dma semaphore(%arg16 : memref<!tpu.dma_semaphore, #tpu.memory_space<semaphore_mem>>) src(%dma_wait3A_32 : memref<65536x1024xf32, #tpu.memory_space<hbm>>) dst(%dma_wait3A_27 : memref<32x1024xf32, #tpu.memory_space<vmem>>)
    %add3A_33 = arith.constant 32 : i32
    %add3A_34 = arith.addi %mul3A_2, %add3A_33 : i32
    "tpu.region"() ({
      %run_scoped3A = tpu.sem_alloc : memref<!tpu.dma_semaphore, #tpu.memory_space<semaphore_mem>>
      %dma_start3A_37 = arith.constant 32 : i32
      %dma_start3A_38 = arith.constant 0 : i32
      %dma_start3A_39 = tpu.memref_slice %arg11[%dma_start3A_37, %dma_start3A_38] : memref<64x1024xf32, #tpu.memory_space<vmem>> -> memref<32x1024xf32, #tpu.memory_space<vmem>>
      %dma_start3A_40 = arith.constant 0 : i32
      %dma_start3A_41 = tpu.memref_slice %arg7[%add3A_34, %dma_start3A_40] : memref<2048x1024xf32, #tpu.memory_space<hbm>> -> memref<32x1024xf32, #tpu.memory_space<hbm>>
      %dma_start3A_42 = arith.constant 0 : i32
      %dma_start3A_43 = tpu.memref_slice %arg7[%add3A_34, %dma_start3A_42] : memref<2048x1024xf32, #tpu.memory_space<hbm>> -> memref<32x1024xf32, #tpu.memory_space<hbm>>
      %dma_start3A_44 = arith.constant 32 : i32
      %dma_start3A_45 = arith.constant 0 : i32
      %dma_start3A_46 = tpu.memref_slice %arg11[%dma_start3A_44, %dma_start3A_45] : memref<64x1024xf32, #tpu.memory_space<vmem>> -> memref<32x1024xf32, #tpu.memory_space<vmem>>
      tpu.enqueue_dma source(%dma_start3A_46 : memref<32x1024xf32, #tpu.memory_space<vmem>>) target(%dma_start3A_43 : memref<32x1024xf32, #tpu.memory_space<hbm>>) target_semaphore(%run_scoped3A : memref<!tpu.dma_semaphore, #tpu.memory_space<semaphore_mem>>)
      %dma_wait3A_47 = arith.constant 32 : i32
      %dma_wait3A_48 = arith.constant 0 : i32
      %dma_wait3A_49 = tpu.memref_slice %arg11[%dma_wait3A_47, %dma_wait3A_48] : memref<64x1024xf32, #tpu.memory_space<vmem>> -> memref<32x1024xf32, #tpu.memory_space<vmem>>
      %dma_wait3A_50 = arith.constant 0 : i32
      %dma_wait3A_51 = tpu.memref_slice %arg7[%add3A_34, %dma_wait3A_50] : memref<2048x1024xf32, #tpu.memory_space<hbm>> -> memref<32x1024xf32, #tpu.memory_space<hbm>>
      %dma_wait3A_52 = arith.constant 0 : i32
      %dma_wait3A_53 = tpu.memref_slice %arg7[%add3A_34, %dma_wait3A_52] : memref<2048x1024xf32, #tpu.memory_space<hbm>> -> memref<32x1024xf32, #tpu.memory_space<hbm>>
      %dma_wait3A_54 = arith.constant 32 : i32
      %dma_wait3A_55 = arith.constant 0 : i32
      %dma_wait3A_56 = tpu.memref_slice %arg11[%dma_wait3A_54, %dma_wait3A_55] : memref<64x1024xf32, #tpu.memory_space<vmem>> -> memref<32x1024xf32, #tpu.memory_space<vmem>>
      tpu.wait_dma2 semaphore(%run_scoped3A : memref<!tpu.dma_semaphore, #tpu.memory_space<semaphore_mem>>) src(%dma_wait3A_56 : memref<32x1024xf32, #tpu.memory_space<vmem>>) dst(%dma_wait3A_53 : memref<32x1024xf32, #tpu.memory_space<hbm>>)
      tpu.yield
    }) : () -> ()
    %eq3A = arith.constant 0 : i32
    %eq3A_35 = arith.cmpi eq, %add3A, %eq3A : i32
    %convert_element_type3A = arith.extui %eq3A_35 : i1 to i32
    %cond3A = arith.constant 0 : i32
    %cond3A_36 = arith.cmpi ne, %convert_element_type3A, %cond3A : i32
    scf.if %cond3A_36 {
      "tpu.region"() ({
        %run_scoped3A = tpu.sem_alloc : memref<!tpu.dma_semaphore, #tpu.memory_space<semaphore_mem>>
        tpu.enqueue_dma source(%arg3 : memref<16xi32, #tpu.memory_space<hbm>>) target(%arg12 : memref<16xi32, #tpu.memory_space<vmem>>) target_semaphore(%run_scoped3A : memref<!tpu.dma_semaphore, #tpu.memory_space<semaphore_mem>>)
        tpu.wait_dma2 semaphore(%run_scoped3A : memref<!tpu.dma_semaphore, #tpu.memory_space<semaphore_mem>>) src(%arg3 : memref<16xi32, #tpu.memory_space<hbm>>) dst(%arg12 : memref<16xi32, #tpu.memory_space<vmem>>)
        tpu.yield
      }) : () -> ()
      %dma_start3A_37 = arith.constant 0 : i32
      %dma_start3A_38 = arith.constant 0 : i32
      %dma_start3A_39 = tpu.memref_slice %arg5[%dma_start3A_37, %dma_start3A_38] : memref<512x1024xf32, #tpu.memory_space<hbm>> -> memref<512x1024xf32, #tpu.memory_space<hbm>>
      tpu.enqueue_indirect_dma source(%dma_start3A_39 : memref<512x1024xf32, #tpu.memory_space<hbm>>) target(%arg13 : memref<16x1024xf32, #tpu.memory_space<vmem>>) offsets(%arg12 : memref<16xi32, #tpu.memory_space<vmem>>) semaphore(%arg15 : memref<!tpu.dma_semaphore, #tpu.memory_space<semaphore_mem>>)
      %dma_wait3A_40 = arith.constant 0 : i32
      %dma_wait3A_41 = arith.constant 0 : i32
      %dma_wait3A_42 = tpu.memref_slice %arg5[%dma_wait3A_40, %dma_wait3A_41] : memref<512x1024xf32, #tpu.memory_space<hbm>> -> memref<512x1024xf32, #tpu.memory_space<hbm>>
      tpu.wait_indirect_dma semaphore(%arg15 : memref<!tpu.dma_semaphore, #tpu.memory_space<semaphore_mem>>) src(%dma_wait3A_42 : memref<512x1024xf32, #tpu.memory_space<hbm>>) dst(%arg13 : memref<16x1024xf32, #tpu.memory_space<vmem>>)
      "tpu.region"() ({
        %run_scoped3A = tpu.sem_alloc : memref<!tpu.dma_semaphore, #tpu.memory_space<semaphore_mem>>
        tpu.enqueue_dma source(%arg13 : memref<16x1024xf32, #tpu.memory_space<vmem>>) target(%arg8 : memref<16x1024xf32, #tpu.memory_space<hbm>>) target_semaphore(%run_scoped3A : memref<!tpu.dma_semaphore, #tpu.memory_space<semaphore_mem>>)
        tpu.wait_dma2 semaphore(%run_scoped3A : memref<!tpu.dma_semaphore, #tpu.memory_space<semaphore_mem>>) src(%arg13 : memref<16x1024xf32, #tpu.memory_space<vmem>>) dst(%arg8 : memref<16x1024xf32, #tpu.memory_space<hbm>>)
        tpu.yield
      }) : () -> ()
      %dma_start3A_43 = arith.constant 0 : i32
      %dma_start3A_44 = arith.constant 0 : i32
      %dma_start3A_45 = tpu.memref_slice %arg6[%dma_start3A_43, %dma_start3A_44] : memref<512x128xi32, #tpu.memory_space<hbm>> -> memref<512x128xi32, #tpu.memory_space<hbm>>
      tpu.enqueue_indirect_dma source(%dma_start3A_45 : memref<512x128xi32, #tpu.memory_space<hbm>>) target(%arg14 : memref<16x128xi32, #tpu.memory_space<vmem>>) offsets(%arg12 : memref<16xi32, #tpu.memory_space<vmem>>) semaphore(%arg15 : memref<!tpu.dma_semaphore, #tpu.memory_space<semaphore_mem>>)
      %dma_wait3A_46 = arith.constant 0 : i32
      %dma_wait3A_47 = arith.constant 0 : i32
      %dma_wait3A_48 = tpu.memref_slice %arg6[%dma_wait3A_46, %dma_wait3A_47] : memref<512x128xi32, #tpu.memory_space<hbm>> -> memref<512x128xi32, #tpu.memory_space<hbm>>
      tpu.wait_indirect_dma semaphore(%arg15 : memref<!tpu.dma_semaphore, #tpu.memory_space<semaphore_mem>>) src(%dma_wait3A_48 : memref<512x128xi32, #tpu.memory_space<hbm>>) dst(%arg14 : memref<16x128xi32, #tpu.memory_space<vmem>>)
      "tpu.region"() ({
        %run_scoped3A = tpu.sem_alloc : memref<!tpu.dma_semaphore, #tpu.memory_space<semaphore_mem>>
        tpu.enqueue_dma source(%arg14 : memref<16x128xi32, #tpu.memory_space<vmem>>) target(%arg9 : memref<16x128xi32, #tpu.memory_space<hbm>>) target_semaphore(%run_scoped3A : memref<!tpu.dma_semaphore, #tpu.memory_space<semaphore_mem>>)
        tpu.wait_dma2 semaphore(%run_scoped3A : memref<!tpu.dma_semaphore, #tpu.memory_space<semaphore_mem>>) src(%arg14 : memref<16x128xi32, #tpu.memory_space<vmem>>) dst(%arg9 : memref<16x128xi32, #tpu.memory_space<hbm>>)
        tpu.yield
      }) : () -> ()
    } else {
    }
    return
  }
}

module attributes {stable_mosaic.version = 14 : i64} {
  func.func @_score_body(%arg0: memref<16x1024xf32, #tpu.memory_space<vmem>>, %arg1: memref<16x1024xf32, #tpu.memory_space<vmem>>, %arg2: memref<16x32x1024xf32, #tpu.memory_space<vmem>>, %arg3: memref<2048x1024xf32, #tpu.memory_space<vmem>>, %arg4: memref<1x1024xf32, #tpu.memory_space<vmem>>, %arg5: memref<1024x1024xf32, #tpu.memory_space<vmem>>, %arg6: memref<1x1024xf32, #tpu.memory_space<vmem>>, %arg7: memref<16x32xf32, #tpu.memory_space<vmem>>) attributes {dimension_semantics = [], scalar_prefetch = 0 : i64, scratch_operands = 0 : i64, tpu.core_type = #tpu.core_type<tc>} {
    %get3A = arith.constant 0 : index
    %get3A_0 = arith.constant 0 : index
    %get3A_1 = vector.load %arg0[%get3A, %get3A_0] : memref<16x1024xf32, #tpu.memory_space<vmem>>, vector<16x1024xf32>
    %get3A_2 = arith.constant 0 : index
    %get3A_3 = arith.constant 0 : index
    %get3A_4 = vector.load %arg3[%get3A_2, %get3A_3] : memref<2048x1024xf32, #tpu.memory_space<vmem>>, vector<1024x1024xf32>
    %dot_general3A = arith.constant dense<0.000000e+00> : vector<16x1024xf32>
    %dot_general3A_5 = tpu.matmul %get3A_1, %get3A_4, %dot_general3A {dimension_numbers = #tpu.dot_dimension_numbers<[1], [0], [0], [1], [0, 0, 1, 1], [], []>, transpose_lhs_hint = false} : vector<16x1024xf32>, vector<1024x1024xf32>, vector<16x1024xf32> -> vector<16x1024xf32>
    %get3A_6 = arith.constant 0 : index
    %get3A_7 = arith.constant 0 : index
    %get3A_8 = vector.load %arg1[%get3A_6, %get3A_7] : memref<16x1024xf32, #tpu.memory_space<vmem>>, vector<16x1024xf32>
    %get3A_9 = arith.constant 1024 : index
    %get3A_10 = arith.constant 0 : index
    %get3A_11 = vector.load %arg3[%get3A_9, %get3A_10] : memref<2048x1024xf32, #tpu.memory_space<vmem>>, vector<1024x1024xf32>
    %dot_general3A_12 = arith.constant dense<0.000000e+00> : vector<16x1024xf32>
    %dot_general3A_13 = tpu.matmul %get3A_8, %get3A_11, %dot_general3A_12 {dimension_numbers = #tpu.dot_dimension_numbers<[1], [0], [0], [1], [0, 0, 1, 1], [], []>, transpose_lhs_hint = false} : vector<16x1024xf32>, vector<1024x1024xf32>, vector<16x1024xf32> -> vector<16x1024xf32>
    %add3A = arith.addf %dot_general3A_5, %dot_general3A_13 : vector<16x1024xf32>
    %get3A_14 = arith.constant 0 : index
    %get3A_15 = arith.constant 0 : index
    %get3A_16 = vector.load %arg4[%get3A_14, %get3A_15] : memref<1x1024xf32, #tpu.memory_space<vmem>>, vector<1x1024xf32>
    %add3A_17 = vector.broadcast %get3A_16 : vector<1x1024xf32> to vector<16x1024xf32>
    %add3A_18 = arith.addf %add3A, %add3A_17 : vector<16x1024xf32>
    %get3A_19 = arith.constant 0 : index
    %get3A_20 = arith.constant 0 : index
    %get3A_21 = vector.load %arg5[%get3A_19, %get3A_20] : memref<1024x1024xf32, #tpu.memory_space<vmem>>, vector<1024x1024xf32>
    %dot_general3A_22 = arith.constant dense<0.000000e+00> : vector<16x1024xf32>
    %dot_general3A_23 = tpu.matmul %add3A_18, %get3A_21, %dot_general3A_22 {dimension_numbers = #tpu.dot_dimension_numbers<[1], [1], [0], [0], [0, 0, 1, 0], [], []>, transpose_lhs_hint = false} : vector<16x1024xf32>, vector<1024x1024xf32>, vector<16x1024xf32> -> vector<16x1024xf32>
    %get3A_24 = arith.constant 0 : index
    %get3A_25 = arith.constant 0 : index
    %get3A_26 = vector.load %arg6[%get3A_24, %get3A_25] : memref<1x1024xf32, #tpu.memory_space<vmem>>, vector<1x1024xf32>
    %mul3A = vector.broadcast %get3A_26 : vector<1x1024xf32> to vector<16x1024xf32>
    %mul3A_27 = arith.mulf %add3A_18, %mul3A : vector<16x1024xf32>
    %reduce_sum3A = arith.constant dense<0.000000e+00> : vector<16xf32>
    %reduce_sum3A_28 = vector.multi_reduction <add>, %mul3A_27, %reduce_sum3A [1] : vector<16x1024xf32> to vector<16xf32>
    %get3A_29 = arith.constant 0 : index
    %get3A_30 = arith.constant 0 : index
    %get3A_31 = arith.constant 0 : index
    %get3A_32 = vector.load %arg2[%get3A_29, %get3A_30, %get3A_31] : memref<16x32x1024xf32, #tpu.memory_space<vmem>>, vector<16x32x1024xf32>
    %broadcast_in_dim3A = vector.shape_cast %dot_general3A_23 : vector<16x1024xf32> to vector<16x1x1024xf32>
    %mul3A_33 = vector.broadcast %broadcast_in_dim3A : vector<16x1x1024xf32> to vector<16x32x1024xf32>
    %mul3A_34 = arith.mulf %get3A_32, %mul3A_33 : vector<16x32x1024xf32>
    %reduce_sum3A_35 = arith.constant dense<0.000000e+00> : vector<16x32xf32>
    %reduce_sum3A_36 = vector.multi_reduction <add>, %mul3A_34, %reduce_sum3A_35 [2] : vector<16x32x1024xf32> to vector<16x32xf32>
    %broadcast_in_dim3A_37 = vector.shape_cast %reduce_sum3A_28 : vector<16xf32> to vector<16x1xf32>
    %add3A_38 = vector.broadcast %broadcast_in_dim3A_37 : vector<16x1xf32> to vector<16x32xf32>
    %add3A_39 = arith.addf %reduce_sum3A_36, %add3A_38 : vector<16x32xf32>
    %swap3A = arith.constant 0 : index
    %swap3A_40 = arith.constant 0 : index
    %swap3A_41 = vector.load %arg7[%swap3A, %swap3A_40] : memref<16x32xf32, #tpu.memory_space<vmem>>, vector<16x32xf32>
    tpu.vector_store %arg7[%swap3A, %swap3A_40], %add3A_39 {strides = array<i32>} : memref<16x32xf32, #tpu.memory_space<vmem>>, vector<16x32xf32>,
    return
  }
}

</mosaic_0001>

<sc_bundles>
// kernel: kernel.4.cloned.1.call-start
scs
__scs_entry_jumppad:
0x0: {  	(pc) =	sbr.rel $0x88, $3  }
0x1: {  	(tag) =	ssettag $0x0;
	lr =	simm.s32 $0x1  }
0x2: {  	[smem:$0x3F97] =	sst lr;
	_ =	strace $0xD0000000  }
0x3: {  	_ = 	snop  }
0x4: {  	_ = 	snop  }
0x5: {  	_ = 	snop  }
0x6: {  	_ = 	snop  }
0x7: {  	_ = 	snop  }
__scs_overlays_trampoline_lowered:
0x8: {  	[smem:$0x3FA6] =	sst s0  }
0x9: {  	[smem:$0x3FA7] =	sst s1  }
0xa: {  	[smem:$0x3FA8] =	sst s2  }
0xb: {  	[smem:$0x3FA9] =	sst s3  }
0xc: {  	[smem:$0x3FAA] =	sst s4  }
0xd: {  	[smem:$0x3FAB] =	sst s5  }
0xe: {  	[smem:$0x3FAC] =	sst s6  }
0xf: {  	[smem:$0x3FAD] =	sst s7  }
0x10: {  	[smem:$0x3FAE] =	sst s8  }
0x11: {  	[smem:$0x3FAF] =	sst s9;
	s0 =	simm.s32 @!p0 $0x0  }
0x12: {  	s1 =	sld [smem:$0x3F95];
	s0 =	simm.s32 @p0 $0x1  }
0x13: {  	[smem:$0x3FB0] =	sst s0;
	s0 =	simm.s32 @!p1 $0x0  }
0x14: {  	s2 =	sld [smem:$0x3F94];
	s0 =	simm.s32 @p1 $0x1  }
0x15: {  	[smem:$0x3FB1] =	sst s0;
	s0 =	simm.s32 @!p2 $0x0  }
0x16: {  	s3 =	sld [smem:$0x3FDB];
	s0 =	simm.s32 @p2 $0x1  }
0x17: {  	s4 =	simm.s32 $0x1BF5;
	[smem:$0x3FB3] =	sst s0  }
0x18: {  	s0 =	sld [smem:$0x3F96];
	_ =	swait.ge [sflag:s4], $0x0  }
0x19: {  	s7 =	sld [smem:$0x3F97]  }
0x1a: {  	s8 =	sadd.s32 $0xFFFFE003, lr  }
0x1b: {  	s9 =	sadd.s32 $0xFFFFFEF7, lr;
	s5 =	simm.s32 $0xFFFFFFFF;
	p2 =	slt.u32 s8, $0xFFFFF086  }
0x1c: {  	p1 =	slt.u32 s9, $0xF7A;
	s5 =	simm.s32 @!p2 $0x0  }
0x1d: {  	s5 =	simm.s32 @p1 $0x1;
	p0 =	seq.s32 s7, s2  }
0x1e: {  	s7 =	smul.u32 @!p0 $0xF7A, s2;
	p2 =	seq.s32 @!p0 s5, $0x0  }
0x1f: {  	s9 =	smul.u32 $0xF7A, s1;
	s8 =	simm.s32 @!p0 $0x1BF5;
	p2 =	por !p2, p0  }
0x20: {  	[sflag:s8] =	ssyncset.s32 @!p0 $0xFFFFF086;
	s6 =	sadd.s32 @!p0 s3, s7;
	s7 =	simm.s32 @!p0 $0x108  }
0x21: {  	s3 =	sadd.s32 s3, s9;
	s6 =	sadd.s32 @!p0 $0x88, s6;
	s7 =	simm.s32 @p2 $0x1082  }
0x22: {  	[simem:s7], [sflag:s8] =	dma.local @!p0 [hbm:s6], $0xF7A  }
0x23: {  	s9 =	sor.u32 $0xD0000000, s2;
	s6 =	simm.s32 $0x108;
	_ =	swait.ge @!p0 [sflag:s8], $0x0  }
0x24: {  	s3 =	sadd.s32 $0x88, s3;
	s6 =	simm.s32 @!p1 $0x1082;
	[sflag:s4] =	ssyncset.s32 $0xFFFFF086  }
0x25: {  	[simem:s6], [sflag:s4] =	dma.local [hbm:s3], $0xF7A  }
0x26: {  	[smem:$0x3F97] =	sst s1;
	(tag) =	ssettag s2;
	_ =	strace s9  }
0x27: {  	s1 =	sld [smem:$0x3FA7]  }
0x28: {  	s2 =	sld [smem:$0x3FA8]  }
0x29: {  	s4 =	sld [smem:$0x3FAA]  }
0x2a: {  	p0 =	seq.s32 s5, $0x0;
	s5 =	sld [smem:$0x3FAB]  }
0x2b: {  	s6 =	sld [smem:$0x3FAC]  }
0x2c: {  	s7 =	sld [smem:$0x3FAD]  }
0x2d: {  	s3 =	simm.s32 $0x108;
	s8 =	sld [smem:$0x3FAE]  }
0x2e: {  	s3 =	simm.s32 @!p0 $0x1082;
	s9 =	sld [smem:$0x3FAF]  }
0x2f: {  	lr =	sadd.s32 s0, s3;
	s0 =	sld [smem:$0x3FA6]  }
0x30: {  	s3 =	sld [smem:$0x3FA9]  }
0x31: {  	[smem:$0x3FB2] =	sst s10  }
0x32: {  	s10 =	sld [smem:$0x3FB0];
	_ =	sdelay $0x3  }
0x33: {  	p0 =	seq.s32 s10, $0x1;
	s10 =	sld [smem:$0x3FB2];
	_ =	sdelay $0x3  }
0x34: {  	[smem:$0x3FB2] =	sst s10  }
0x35: {  	s10 =	sld [smem:$0x3FB1];
	_ =	sdelay $0x3  }
0x36: {  	p1 =	seq.s32 s10, $0x1;
	s10 =	sld [smem:$0x3FB2];
	_ =	sdelay $0x3  }
0x37: {  	[smem:$0x3FB2] =	sst s10  }
0x38: {  	s10 =	sld [smem:$0x3FB3]  }
0x39: {  	_ = 	snop;
	(pc) =	sbr.ind lr, $3  }
0x3a: {  	_ = 	snop  }
0x3b: {  	_ = 	snop  }
0x3c: {  	p2 =	seq.s32 s10, $0x1;
	s10 =	sld [smem:$0x3FB2]  }
0x3d: {  	_ =	shalt  }
0x3e: {  	_ =	shalt  }
0x3f: {  	_ =	shalt  }
0x40: {  	_ =	shalt  }
0x41: {  	_ =	shalt  }
0x42: {  	_ =	shalt  }
0x43: {  	_ =	shalt  }
0x44: {  	_ =	shalt  }
0x45: {  	_ =	shalt  }
0x46: {  	_ =	shalt  }
0x47: {  	_ =	shalt  }
0x48: {  	_ =	shalt  }
0x49: {  	_ =	shalt  }
0x4a: {  	_ =	shalt  }
0x4b: {  	_ =	shalt  }
0x4c: {  	_ =	shalt  }
0x4d: {  	_ =	shalt  }
0x4e: {  	_ =	shalt  }
0x4f: {  	_ =	shalt  }
0x50: {  	_ =	shalt  }
0x51: {  	_ =	shalt  }
0x52: {  	_ =	shalt  }
0x53: {  	_ =	shalt  }
0x54: {  	_ =	shalt  }
0x55: {  	_ =	shalt  }
0x56: {  	_ =	shalt  }
0x57: {  	_ =	shalt  }
0x58: {  	_ =	shalt  }
0x59: {  	_ =	shalt  }
0x5a: {  	_ =	shalt  }
0x5b: {  	_ =	shalt  }
0x5c: {  	_ =	shalt  }
0x5d: {  	_ =	shalt  }
0x5e: {  	_ =	shalt  }
0x5f: {  	_ =	shalt  }
0x60: {  	_ =	shalt  }
0x61: {  	_ =	shalt  }
0x62: {  	_ =	shalt  }
0x63: {  	_ =	shalt  }
0x64: {  	_ =	shalt  }
0x65: {  	_ =	shalt  }
0x66: {  	_ =	shalt  }
0x67: {  	_ =	shalt  }
0x68: {  	_ =	shalt  }
0x69: {  	_ =	shalt  }
0x6a: {  	_ =	shalt  }
0x6b: {  	_ =	shalt  }
0x6c: {  	_ =	shalt  }
0x6d: {  	_ =	shalt  }
0x6e: {  	_ =	shalt  }
0x6f: {  	_ =	shalt  }
0x70: {  	_ =	shalt  }
0x71: {  	_ =	shalt  }
0x72: {  	_ =	shalt  }
0x73: {  	_ =	shalt  }
0x74: {  	_ =	shalt  }
0x75: {  	_ =	shalt  }
0x76: {  	_ =	shalt  }
0x77: {  	_ =	shalt  }
0x78: {  	_ =	shalt  }
0x79: {  	_ =	shalt  }
0x7a: {  	_ =	shalt  }
0x7b: {  	_ =	shalt  }
0x7c: {  	_ =	shalt  }
0x7d: {  	_ =	shalt  }
0x7e: {  	_ =	shalt  }
0x7f: {  	_ =	shalt  }
0x80: {  	_ =	shalt  }
0x81: {  	_ =	shalt  }
0x82: {  	_ =	shalt  }
0x83: {  	_ =	shalt  }
0x84: {  	_ =	shalt  }
0x85: {  	_ =	shalt  }
0x86: {  	_ =	shalt  }
0x87: {  	_ =	shalt  }
.Lfunc_end0:
.L_simem_size_0:
called_computation_lowered:
.L_overlay_start_0:
0x88: {  	s2 =	sld [smem:$0x3FD9]  }
0x89: {  	s3 =	sld [smem:$0x3FFE];
	_ =	sdelay $0x1  }
0x8a: {  	s1 =	srdreg.scid  }
0x8b: {  	s0 =	sand.u32 $0x1, s1  }
0x8c: {  	s14 =	sshll.u32 s0, $0xA;
	s2 =	sadd.s32 s3, s2  }
0x8d: {  	s2 =	sadd.s32 s2, s14  }
0x8e: {  	[smem:$0x3FBE] =	sst s2  }
0x8f: {  	_ = 	snop  }
0x90: {  	s2 =	sld [smem:$0x3FD0]  }
0x91: {  	s15 =	sld [smem:$0x3FC7]  }
0x92: {  	s4 =	sld [smem:$0x3FC6]  }
0x93: {  	s6 =	simm.s32 $0xA;
	s7 =	simm.s32 $0x10;
	s5 =	sld [smem:$0x3FC4]  }
0x94: {  	[smem:s7], [sflag:s6] =	dma.local [hbm:s2], $0x1  }
0x95: {  	_ =	swait.eq [sflag:s6], $0x1  }
0x96: {  	s16 =	sld [smem:$0x11]  }
0x97: {  	s17 =	sld [smem:$0x12];
	[sflag:s6] =	ssyncset.done $0x0  }
0x98: {  	s8 =	sld [smem:$0x13];
	[sflag:s6] =	ssyncadd.s32 $0xFFFFFFFF  }
0x99: {  	s18 =	sld [smem:$0x14];
	(tm) =	ssettm $0x1  }
0x9a: {  	s9 =	sld [smem:$0x3FFB];
	_ =	sdelay $0x3  }
0x9b: {  	_ =	strace s9  }
0x9c: {  	s9 =	sld [smem:$0x3FFC];
	_ =	sdelay $0x3  }
0x9d: {  	_ =	strace s9  }
0x9e: {  	s9 =	sld [smem:$0x3FFD];
	_ =	sdelay $0x3  }
0x9f: {  	_ =	strace s9  }
0xa0: {  	_ =	strace $0x8FFFFFFF  }
0xa1: {  	s19 =	sld [smem:$0x3FDB];
	_ =	sdelay $0x1  }
0xa2: {  	s10 =	simm.s32 $_scs_section_size  }
0xa3: {  	s11 =	simm.s32 $_size__tile_overlayer_lowered;
	s12 =	simm.s32 $_tile_overlayer_lowered  }
0xa4: {  	s22 =	simm.s32 $0x1BFF;
	s21 =	sshll.u32 s12, $0x1;
	s9 =	sadd.s32 s10, s19  }
0xa5: {  	s13 =	simm.s32 $0x0;
	s20 =	sshll.u32 s11, $0x1;
	s11 =	sadd.s32 s21, s9  }
0xa6: {  	[timem:s13], [sflag:s22] =	dma.local [hbm:s11], s20  }
0xa7: {  	_ =	swait.ge [sflag:s22], s20  }
0xa8: {  	s10 =	ssub.s32 $0x0, s20;
	[sflag:s22] =	ssyncset.done $0x0  }
0xa9: {  	[sflag:s22] =	ssyncadd.s32 s10;
	_ =	sdelay $0x1  }
0xaa: {  	s23 =	simm.s32 $0x1B8B  }
0xab: {  	_ =	swait.ge [sflag:s23], $0x1  }
0xac: {  	[sflag:s23] =	ssyncset.done $0x0  }
0xad: {  	s25 =	simm.s32 $0x1B8E;
	s24 =	sld [smem:$0x3FFE];
	[sflag:s23] =	ssyncadd.s32 $0xFFFFFFFF  }
0xae: {  	s26 =	simm.s32 $execute0_lowered;
	[smem:$0x3FD2] =	sst s25  }
0xaf: {  	s11 =	sshll.u32 s26, $0x1;
	_ =	strace $0x80000046;
	[dreg:$0x1] =	wrdreg $0xFFFFFFFF  }
0xb0: {  	s28 =	simm.s32 $_size_execute0_lowered;
	s9 =	sadd.s32 s9, s11;
	[dreg:$0x0] =	wrdreg $0x0  }
0xb1: {  	s11 =	sshll.u32 s28, $0x1;
	[dreg:$0x2] =	wrdreg s9  }
0xb2: {  	[dreg:$0x3] =	wrdreg s11  }
0xb3: {  	[dreg:$0x4] =	wrdreg $0xC0  }
0xb4: {  	_ =	task [dreg:s13], $0x5FFFF  }
0xb5: {  	[dreg:$0x1] =	wrdreg $0xFFFFFFFF  }
0xb6: {  	[dreg:$0x0] =	wrdreg $0x60  }
0xb7: {  	[dreg:$0x2] =	wrdreg s24  }
0xb8: {  	[dreg:$0x3] =	wrdreg s17  }
0xb9: {  	[dreg:$0x4] =	wrdreg s15  }
0xba: {  	[dreg:$0x5] =	wrdreg s4  }
0xbb: {  	[dreg:$0x6] =	wrdreg s5  }
0xbc: {  	[dreg:$0x7] =	wrdreg s16  }
0xbd: {  	[dreg:$0x8] =	wrdreg s8  }
0xbe: {  	[dreg:$0x9] =	wrdreg s18  }
0xbf: {  	[dreg:$0xa] =	wrdreg $0x9  }
0xc0: {  	_ =	task.clear_ibuf [dreg:s13], $0xBFFFF;
	_ =	strace $0x90000046  }
0xc1: {  	s29 =	simm.s32 $0x9;
	_ =	strace $0x80000048  }
0xc2: {  	_ =	swait.ge [sflag:s29], $0x1  }
0xc3: {  	[sflag:s29] =	ssyncadd.s32 $0xFFFFFFFF  }
0xc4: {  	_ =	strace $0x90000048  }
0xc5: {  	_ =	sfence  }
0xc6: {  	s30 =	sld [smem:$0x0];
	_ =	sdelay $0x2  }
0xc7: {  	s31 =	sshll.u32 s1, $0xD;
	s1 =	sshrl.u32 s1, $0x2  }
0xc8: {  	s3 =	sand.u32 $0x4000, s31;
	s1 =	sadd.s32 s1, s30  }
0xc9: {  	s0 =	sor.u32 s3, s0;
	s1 =	sshll.u32 s1, $0x11  }
0xca: {  	s0 =	sor.u32 s1, s0  }
0xcb: {  	s0 =	sadd.s32 $0x8F2B, s0  }
0xcc: {  	[sflag:s0] =	ssyncadd.remote.s32 $0x1  }
0xcd: {  	_ =	sfence.sel $0xFFFF  }
0xce: {  	[dreg:$0x0] =	wrdreg $0xFFFFFFFF;
	(pc) =	sbr.abs _section_cstart, $3  }
0xcf: {  	[dreg:$0x1] =	wrdreg $0xFFFFFFFF  }
0xd0: {  	_ =	task.clear_ibuf [dreg:s13], $0x2FFFF;
	_ =	strace $0x9FFFFFFF  }
0xd1: {  	(tm) =	ssettm $0x7FFFFFFF  }
tec
execute0_lowered:
.L_overlay_start_1:
0x0: {  	(tag) =	ssettag $0x1  }
0x1: {  	s5 =	rddreg [dreg:$0x0]  }
0x2: {  	s0 =	rddreg [dreg:$0x1]  }
0x3: {  	s1 =	rddreg [dreg:$0x3]  }
0x4: {  	s2 =	rddreg [dreg:$0x4]  }
0x5: {  	s6 =	rddreg [dreg:$0x5]  }
0x6: {  	s26 =	rddreg [dreg:$0x6]  }
0x7: {  	s4 =	rddreg [dreg:$0x7]  }
0x8: {  	[dreg:$0x9] =	wrdreg s0  }
0x9: {  	s0 =	rddreg [dreg:$0x2]  }
0xa: {  	[dreg:$0xa] =	wrdreg s2  }
0xb: {  	[dreg:$0xb] =	wrdreg s26  }
0xc: {  	s3 =	srdreg.scid;
	[dreg:$0xc] =	wrdreg s4  }
0xd: {  	s7 =	sand.u32 $0x1, s3;
	s3 =	rddreg [dreg:$0x8];
	s4 =	simm.s32 $0x0  }
0xe: {  	s30 =	simm.s32 $0x880;
	[smem:$0x7FF] =	sst s4  }
0xf: {  	s31 =	simm.s32 $0x1080;
	_ =	strace $0x80000047;
	[dreg:$0xf] =	wrdreg s30  }
0x10: {  	s10 =	simm.s32 $0x2880;
	[dreg:$0x10] =	wrdreg s31  }
0x11: {  	s11 =	simm.s32 $0x3080;
	[dreg:$0x13] =	wrdreg s10  }
0x12: {  	s12 =	simm.s32 $0x3880;
	[dreg:$0x14] =	wrdreg s11  }
0x13: {  	s14 =	simm.s32 $0x4080;
	[dreg:$0x15] =	wrdreg s12  }
0x14: {  	s15 =	simm.s32 $0x4880;
	[dreg:$0x16] =	wrdreg s14  }
0x15: {  	s16 =	simm.s32 $0x5080;
	[dreg:$0x17] =	wrdreg s15  }
0x16: {  	s17 =	simm.s32 $0x5880;
	[dreg:$0x18] =	wrdreg s16  }
0x17: {  	s18 =	simm.s32 $0x6080;
	[dreg:$0x19] =	wrdreg s17  }
0x18: {  	s19 =	simm.s32 $0x6880;
	[dreg:$0x1a] =	wrdreg s18  }
0x19: {  	s20 =	simm.s32 $0x7080;
	[dreg:$0x1b] =	wrdreg s19  }
0x1a: {  	s21 =	simm.s32 $0x7880;
	[dreg:$0x1c] =	wrdreg s20  }
0x1b: {  	s22 =	simm.s32 $0x8880;
	s24 =	simm.s32 $0x9080;
	[dreg:$0x1d] =	wrdreg s21  }
0x1c: {  	s25 =	simm.s32 $0x9880;
	s2 =	stileid.u32;
	[dreg:$0x1e] =	wrdreg s22  }
0x1d: {  	s26 =	simm.s32 $0xA080;
	s28 =	sshll.u32 s2, $0x1;
	[dreg:$0x1f] =	wrdreg s24  }
0x1e: {  	s13 =	sor.u32 s7, s28;
	s7 =	ssub.s32 $0x2, s7;
	[smem:$0x7F3] =	sst s25  }
0x1f: {  	[smem:$0x7F4] =	sst s26;
	s28 =	simm.s32 $0xA880;
	s10 =	simm.s32 $0xB080  }
0x20: {  	s11 =	simm.s32 $0xB880;
	s14 =	simm.s32 $0xC080;
	s30 =	simm.s32 $0xD080  }
0x21: {  	s31 =	simm.s32 $0xD880;
	s15 =	simm.s32 $0xE080;
	[smem:$0x7F5] =	sst s28  }
0x22: {  	s16 =	simm.s32 $0xE880;
	s17 =	simm.s32 $0xF880;
	[smem:$0x7F6] =	sst s10  }
0x23: {  	s18 =	simm.s32 $0x1;
	s19 =	simm.s32 $0x2;
	[smem:$0x7F7] =	sst s11  }
0x24: {  	s8 =	sshll.u32 s13, $0x3;
	s29 =	sshll.u32 s13, $0xD;
	[smem:$0x7F8] =	sst s14  }
0x25: {  	s23 =	sshrl.u32 s7, $0x1;
	s10 =	sadd.s32 $0x200, s1;
	[smem:$0x7FA] =	sst s30  }
0x26: {  	s11 =	sadd.s32 $0x300, s1;
	p0 =	sne.s32 s13, $0x0;
	[smem:$0x7FB] =	sst s31  }
0x27: {  	s13 =	simm.s32 $0x3;
	s14 =	simm.s32 $0x80;
	[smem:$0x7FC] =	sst s15  }
0x28: {  	s15 =	simm.s32 $0x8080;
	[smem:$0x7FD] =	sst s16;
	s16 =	simm.s32 $0xF080  }
0x29: {  	s5 =	sadd.s32 s8, s5;
	s8 =	simm.s32 $0x1880;
	s12 =	ssub.s32 s7, s23  }
0x2a: {  	s7 =	sadd.s32 $0x200, s0;
	s9 =	sadd.s32 $0x1600, s5;
	[dreg:$0x11] =	wrdreg s8  }
0x2b: {  	s5 =	sadd.s32 s6, s29;
	s29 =	simm.s32 $0xC880;
	[dreg:$0xd] =	wrdreg s9  }
0x2c: {  	v2 =	vlaneseq.u32;
	s8 =	sadd.s32 $0x300, s0;
	s6 =	sadd.s32 $0x1000, s5;
	[smem:$0x7F9] =	sst s29  }
0x2d: {  	vm0 =	vmmov $0xffff;
	v1 =	vshrl.u32 v2, $0x3;
	v0 =	vand.u32 $0x7, v2;
	s12 =	smax.u32 s12, $0x1;
	s9 =	simm.s32 $0x2080;
	[dreg:$0xe] =	wrdreg s6  }
0x2e: {  	v2 =	vor.u32 $0x8, v2;
	v1 =	vmul.u32 $0x8, v1;
	vm1 =	vmmov @!p0 $0xffff;
	[dreg:$0x12] =	wrdreg s9;
	s6 =	sadd.s32 $0x100, s0;
	s9 =	sadd.s32 $0x100, s1  }
.LBB2_1:
0x2f: {  	s20 =	rddreg [dreg:$0xd]  }
0x30: {  	[tilespmem:s4], [sflag:$0x3] =	stream.linear.gather [hbm4b:s20+s4], $0x40, $0x38;
	[tilespmem:$0x14900] =	vst v63  }
0x31: {  	_ =	swait.ge [sflag:s13], $0x40  }
0x32: {  	[sflag:s13] =	ssyncset.done $0x0  }
0x33: {  	[sflag:s13] =	ssyncadd.s32 $0xFFFFFFC0  }
0x34: {  	v3 =	vld [tilespmem:$0x0];
	_ =	sdelay $0x4  }
0x35: {  	v4 =	vshll.u32 v3, $0x3  }
0x36: {  	v3 =	vand.u32 $0x7, v3;
	v4 =	vand.u32 $0xFFFFFFC0, v4  }
0x37: {  	v3 =	vor.u32 v3, v4  }
0x38: {  	v4 =	vperm.xlane v3, v0;
	_ =	sdelay $0x1  }
0x39: {  	v4 =	vadd.s32 v1, v4;
	_ =	sdelay $0x4  }
0x3a: {  	[tilespmem:s14], [sflag:$0x1] =	stream.indirect_vreg.gather [hbm4b:s0+s4], $0x80, v4, vm0, $0xb8;
	[tilespmem:$0x14900] =	vst v63  }
0x3b: {  	s31 =	rddreg [dreg:$0xf];
	v3 =	vperm.xlane v3, v2  }
0x3c: {  	[tilespmem:s31], [sflag:$0x1] =	stream.indirect_vreg.gather [hbm4b:s6+s4], $0x80, v4, vm0, $0xb8;
	[tilespmem:$0x14900] =	vst v63  }
0x3d: {  	s21 =	rddreg [dreg:$0x10];
	v3 =	vadd.s32 v1, v3  }
0x3e: {  	[tilespmem:s21], [sflag:$0x1] =	stream.indirect_vreg.gather [hbm4b:s7+s4], $0x80, v4, vm0, $0xb8;
	[tilespmem:$0x14900] =	vst v63  }
0x3f: {  	s22 =	rddreg [dreg:$0x11]  }
0x40: {  	[tilespmem:s22], [sflag:$0x1] =	stream.indirect_vreg.gather [hbm4b:s8+s4], $0x80, v4, vm0, $0xb8;
	[tilespmem:$0x14900] =	vst v63  }
0x41: {  	s23 =	rddreg [dreg:$0x12]  }
0x42: {  	[tilespmem:s23], [sflag:$0x1] =	stream.indirect_vreg.gather [hbm4b:s0+s4], $0x80, v3, vm0, $0xb8;
	[tilespmem:$0x14900] =	vst v63  }
0x43: {  	s24 =	rddreg [dreg:$0x13]  }
0x44: {  	[tilespmem:s24], [sflag:$0x1] =	stream.indirect_vreg.gather [hbm4b:s6+s4], $0x80, v3, vm0, $0xb8;
	[tilespmem:$0x14900] =	vst v63  }
0x45: {  	s25 =	rddreg [dreg:$0x14]  }
0x46: {  	[tilespmem:s25], [sflag:$0x1] =	stream.indirect_vreg.gather [hbm4b:s7+s4], $0x80, v3, vm0, $0xb8;
	[tilespmem:$0x14900] =	vst v63  }
0x47: {  	s26 =	rddreg [dreg:$0x15]  }
0x48: {  	[tilespmem:s26], [sflag:$0x1] =	stream.indirect_vreg.gather [hbm4b:s8+s4], $0x80, v3, vm0, $0xb8;
	[tilespmem:$0x14900] =	vst v63  }
0x49: {  	v3 =	vld [tilespmem:$0x10];
	_ =	sdelay $0x4  }
0x4a: {  	v61 =	vshll.u32 v3, $0x3  }
0x4b: {  	v3 =	vand.u32 $0x7, v3;
	v4 =	vand.u32 $0xFFFFFFC0, v61  }
0x4c: {  	v3 =	vor.u32 v3, v4  }
0x4d: {  	v4 =	vperm.xlane v3, v0;
	_ =	sdelay $0x1  }
0x4e: {  	v4 =	vadd.s32 v1, v4;
	_ =	sdelay $0x3  }
0x4f: {  	s28 =	rddreg [dreg:$0x16]  }
0x50: {  	[tilespmem:s28], [sflag:$0x1] =	stream.indirect_vreg.gather [hbm4b:s0+s4], $0x80, v4, vm0, $0xb8;
	[tilespmem:$0x14900] =	vst v63  }
0x51: {  	s29 =	rddreg [dreg:$0x17];
	v3 =	vperm.xlane v3, v2  }
0x52: {  	[tilespmem:s29], [sflag:$0x1] =	stream.indirect_vreg.gather [hbm4b:s6+s4], $0x80, v4, vm0, $0xb8;
	[tilespmem:$0x14900] =	vst v63  }
0x53: {  	s30 =	rddreg [dreg:$0x18];
	v3 =	vadd.s32 v1, v3  }
0x54: {  	[tilespmem:s30], [sflag:$0x1] =	stream.indirect_vreg.gather [hbm4b:s7+s4], $0x80, v4, vm0, $0xb8;
	[tilespmem:$0x14900] =	vst v63  }
0x55: {  	s31 =	rddreg [dreg:$0x19]  }
0x56: {  	[tilespmem:s31], [sflag:$0x1] =	stream.indirect_vreg.gather [hbm4b:s8+s4], $0x80, v4, vm0, $0xb8;
	[tilespmem:$0x14900] =	vst v63  }
0x57: {  	s22 =	rddreg [dreg:$0x1a]  }
0x58: {  	[tilespmem:s22], [sflag:$0x1] =	stream.indirect_vreg.gather [hbm4b:s0+s4], $0x80, v3, vm0, $0xb8;
	[tilespmem:$0x14900] =	vst v63  }
0x59: {  	s23 =	rddreg [dreg:$0x1b]  }
0x5a: {  	[tilespmem:s23], [sflag:$0x1] =	stream.indirect_vreg.gather [hbm4b:s6+s4], $0x80, v3, vm0, $0xb8;
	[tilespmem:$0x14900] =	vst v63  }
0x5b: {  	s24 =	rddreg [dreg:$0x1c]  }
0x5c: {  	[tilespmem:s24], [sflag:$0x1] =	stream.indirect_vreg.gather [hbm4b:s7+s4], $0x80, v3, vm0, $0xb8;
	[tilespmem:$0x14900] =	vst v63  }
0x5d: {  	s25 =	rddreg [dreg:$0x1d]  }
0x5e: {  	[tilespmem:s25], [sflag:$0x1] =	stream.indirect_vreg.gather [hbm4b:s8+s4], $0x80, v3, vm0, $0xb8;
	[tilespmem:$0x14900] =	vst v63  }
0x5f: {  	v3 =	vld [tilespmem:$0x20];
	_ =	sdelay $0x4  }
0x60: {  	v62 =	vshll.u32 v3, $0x3  }
0x61: {  	v3 =	vand.u32 $0x7, v3;
	v4 =	vand.u32 $0xFFFFFFC0, v62  }
0x62: {  	v3 =	vor.u32 v3, v4  }
0x63: {  	v4 =	vperm.xlane v3, v0;
	_ =	sdelay $0x1  }
0x64: {  	v4 =	vadd.s32 v1, v4;
	_ =	sdelay $0x3  }
0x65: {  	s26 =	rddreg [dreg:$0x1e]  }
0x66: {  	[tilespmem:s15], [sflag:$0x2] =	stream.indirect_vreg.gather [hbm4b:s0+s4], $0x80, v4, vm0, $0xb8;
	[tilespmem:$0x14900] =	vst v63  }
0x67: {  	s28 =	rddreg [dreg:$0x1f];
	v3 =	vperm.xlane v3, v2  }
0x68: {  	[tilespmem:s26], [sflag:$0x2] =	stream.indirect_vreg.gather [hbm4b:s6+s4], $0x80, v4, vm0, $0xb8;
	[tilespmem:$0x14900] =	vst v63  }
0x69: {  	s29 =	sld [smem:$0x7F3];
	v3 =	vadd.s32 v1, v3  }
0x6a: {  	[tilespmem:s28], [sflag:$0x2] =	stream.indirect_vreg.gather [hbm4b:s7+s4], $0x80, v4, vm0, $0xb8;
	[tilespmem:$0x14900] =	vst v63  }
0x6b: {  	s30 =	sld [smem:$0x7F4]  }
0x6c: {  	[tilespmem:s29], [sflag:$0x2] =	stream.indirect_vreg.gather [hbm4b:s8+s4], $0x80, v4, vm0, $0xb8;
	[tilespmem:$0x14900] =	vst v63  }
0x6d: {  	s31 =	sld [smem:$0x7F5]  }
0x6e: {  	[tilespmem:s30], [sflag:$0x2] =	stream.indirect_vreg.gather [hbm4b:s0+s4], $0x80, v3, vm0, $0xb8;
	[tilespmem:$0x14900] =	vst v63  }
0x6f: {  	s22 =	sld [smem:$0x7F6]  }
0x70: {  	[tilespmem:s31], [sflag:$0x2] =	stream.indirect_vreg.gather [hbm4b:s6+s4], $0x80, v3, vm0, $0xb8;
	[tilespmem:$0x14900] =	vst v63  }
0x71: {  	s23 =	sld [smem:$0x7F7]  }
0x72: {  	[tilespmem:s22], [sflag:$0x2] =	stream.indirect_vreg.gather [hbm4b:s7+s4], $0x80, v3, vm0, $0xb8;
	[tilespmem:$0x14900] =	vst v63  }
0x73: {  	_ = 	snop  }
0x74: {  	[tilespmem:s23], [sflag:$0x2] =	stream.indirect_vreg.gather [hbm4b:s8+s4], $0x80, v3, vm0, $0xb8;
	[tilespmem:$0x14900] =	vst v63  }
0x75: {  	v3 =	vld [tilespmem:$0x30];
	_ =	sdelay $0x4  }
0x76: {  	v63 =	vshll.u32 v3, $0x3  }
0x77: {  	v3 =	vand.u32 $0x7, v3;
	v4 =	vand.u32 $0xFFFFFFC0, v63  }
0x78: {  	v3 =	vor.u32 v3, v4  }
0x79: {  	v4 =	vperm.xlane v3, v0;
	_ =	sdelay $0x1  }
0x7a: {  	v4 =	vadd.s32 v1, v4;
	_ =	sdelay $0x1  }
0x7b: {  	s24 =	sld [smem:$0x7F8];
	_ =	sdelay $0x1  }
0x7c: {  	s25 =	sld [smem:$0x7F9]  }
0x7d: {  	[tilespmem:s24], [sflag:$0x2] =	stream.indirect_vreg.gather [hbm4b:s0+s4], $0x80, v4, vm0, $0xb8;
	[tilespmem:$0x14900] =	vst v63  }
0x7e: {  	s26 =	sld [smem:$0x7FA];
	v3 =	vperm.xlane v3, v2  }
0x7f: {  	[tilespmem:s25], [sflag:$0x2] =	stream.indirect_vreg.gather [hbm4b:s6+s4], $0x80, v4, vm0, $0xb8;
	[tilespmem:$0x14900] =	vst v63  }
0x80: {  	s28 =	sld [smem:$0x7FB];
	v3 =	vadd.s32 v1, v3  }
0x81: {  	[tilespmem:s26], [sflag:$0x2] =	stream.indirect_vreg.gather [hbm4b:s7+s4], $0x80, v4, vm0, $0xb8;
	[tilespmem:$0x14900] =	vst v63  }
0x82: {  	s29 =	sld [smem:$0x7FC]  }
0x83: {  	[tilespmem:s28], [sflag:$0x2] =	stream.indirect_vreg.gather [hbm4b:s8+s4], $0x80, v4, vm0, $0xb8;
	[tilespmem:$0x14900] =	vst v63  }
0x84: {  	s30 =	sld [smem:$0x7FD]  }
0x85: {  	[tilespmem:s29], [sflag:$0x2] =	stream.indirect_vreg.gather [hbm4b:s0+s4], $0x80, v3, vm0, $0xb8;
	[tilespmem:$0x14900] =	vst v63  }
0x86: {  	_ = 	snop  }
0x87: {  	[tilespmem:s30], [sflag:$0x2] =	stream.indirect_vreg.gather [hbm4b:s6+s4], $0x80, v3, vm0, $0xb8;
	[tilespmem:$0x14900] =	vst v63  }
0x88: {  	_ = 	snop  }
0x89: {  	[tilespmem:s16], [sflag:$0x2] =	stream.indirect_vreg.gather [hbm4b:s7+s4], $0x80, v3, vm0, $0xb8;
	[tilespmem:$0x14900] =	vst v63  }
0x8a: {  	_ = 	snop  }
0x8b: {  	[tilespmem:s17], [sflag:$0x2] =	stream.indirect_vreg.gather [hbm4b:s8+s4], $0x80, v3, vm0, $0xb8;
	[tilespmem:$0x14900] =	vst v63  }
0x8c: {  	_ =	swait.ge [sflag:s18], $0x8000  }
0x8d: {  	[sflag:s18] =	ssyncset.done $0x0  }
0x8e: {  	[sflag:s18] =	ssyncadd.s32 $0xFFFF8000  }
0x8f: {  	[hbm4b:s5+s4] =	stream.linear.scatter [tilespmem:s14], [sflag:$0x3], $0x8000, $0x38;
	[tilespmem:$0x14900] =	vst v63  }
0x90: {  	_ =	swait.ge [sflag:s13], $0x8000  }
0x91: {  	[sflag:s13] =	ssyncset.done $0x0  }
0x92: {  	[sflag:s13] =	ssyncadd.s32 $0xFFFF8000  }
0x93: {  	_ =	swait.ge [sflag:s19], $0x8000  }
0x94: {  	[sflag:s19] =	ssyncset.done $0x0  }
0x95: {  	s31 =	rddreg [dreg:$0xe];
	[sflag:s19] =	ssyncadd.s32 $0xFFFF8000  }
0x96: {  	[hbm4b:s31+s4] =	stream.linear.scatter [tilespmem:s15], [sflag:$0x3], $0x8000, $0x38;
	[tilespmem:$0x14900] =	vst v63  }
0x97: {  	_ =	swait.ge [sflag:s13], $0x8000  }
0x98: {  	s21 =	simm.s32 @!p0 $0x0;
	[sflag:s13] =	ssyncset.done $0x0  }
0x99: {  	s22 =	simm.s32 @!p0 $0x10080;
	s20 =	rddreg [dreg:$0x9];
	[sflag:s13] =	ssyncadd.s32 $0xFFFF8000  }
0x9a: {  	[tilespmem:s22], [sflag:$0x3] =	stream.linear.gather @!p0 [hbm4b:s20+s21], $0x80, $0x38;
	[tilespmem:$0x14900] =	vst v63  }
0x9b: {  	s20 =	simm.s32 @!p0 $0x3  }
0x9c: {  	_ =	swait.ge @!p0 [sflag:s20], $0x80  }
0x9d: {  	[sflag:s20] =	ssyncset.done @!p0 $0x0  }
0x9e: {  	[sflag:s20] =	ssyncadd.s32 @!p0 $0xFFFFFF80  }
0x9f: {  	v3 =	vld @!p0 [tilespmem:$0x10080];
	_ =	sdelay $0x4  }
0xa0: {  	v4 =	vshll.u32 @!p0 v3, $0x3  }
0xa1: {  	v5 =	vlaneseq.u32 @!p0;
	v3 =	vand.u32 @!p0 $0x7, v3;
	v4 =	vand.u32 @!p0 $0xFFFFFFC0, v4  }
0xa2: {  	v6 =	vshrl.u32 @!p0 v5, $0x3;
	v3 =	vor.u32 @!p0 v3, v4;
	v4 =	vand.u32 @!p0 $0x7, v5  }
0xa3: {  	v6 =	vmul.u32 @!p0 $0x8, v6;
	v4 =	vperm.xlane @!p0 v3, v4;
	_ =	sdelay $0x1  }
0xa4: {  	v4 =	vadd.s32 @!p0 v6, v4;
	_ =	sdelay $0x3  }
0xa5: {  	s23 =	simm.s32 @!p0 $0x10100  }
0xa6: {  	v5 =	vor.u32 @!p0 $0x8, v5;
	[tilespmem:s23], [sflag:$0x1] =	stream.indirect_vreg.gather @!p0 [hbm4b:s1+s21], $0x80, v4, vm1, $0xb8;
	[tilespmem:$0x14900] =	vst v63  }
0xa7: {  	s24 =	simm.s32 @!p0 $0x10900;
	v3 =	vperm.xlane @!p0 v3, v5  }
0xa8: {  	[tilespmem:s24], [sflag:$0x1] =	stream.indirect_vreg.gather @!p0 [hbm4b:s9+s21], $0x80, v4, vm1, $0xb8;
	[tilespmem:$0x14900] =	vst v63  }
0xa9: {  	v3 =	vadd.s32 @!p0 v6, v3;
	s24 =	simm.s32 @!p0 $0x11100  }
0xaa: {  	[tilespmem:s24], [sflag:$0x1] =	stream.indirect_vreg.gather @!p0 [hbm4b:s10+s21], $0x80, v4, vm1, $0xb8;
	[tilespmem:$0x14900] =	vst v63  }
0xab: {  	s24 =	simm.s32 @!p0 $0x11900  }
0xac: {  	[tilespmem:s24], [sflag:$0x1] =	stream.indirect_vreg.gather @!p0 [hbm4b:s11+s21], $0x80, v4, vm1, $0xb8;
	[tilespmem:$0x14900] =	vst v63  }
0xad: {  	s24 =	simm.s32 @!p0 $0x12100  }
0xae: {  	[tilespmem:s24], [sflag:$0x1] =	stream.indirect_vreg.gather @!p0 [hbm4b:s1+s21], $0x80, v3, vm1, $0xb8;
	[tilespmem:$0x14900] =	vst v63  }
0xaf: {  	s24 =	simm.s32 @!p0 $0x12900  }
0xb0: {  	[tilespmem:s24], [sflag:$0x1] =	stream.indirect_vreg.gather @!p0 [hbm4b:s9+s21], $0x80, v3, vm1, $0xb8;
	[tilespmem:$0x14900] =	vst v63  }
0xb1: {  	s24 =	simm.s32 @!p0 $0x13100  }
0xb2: {  	[tilespmem:s24], [sflag:$0x1] =	stream.indirect_vreg.gather @!p0 [hbm4b:s10+s21], $0x80, v3, vm1, $0xb8;
	[tilespmem:$0x14900] =	vst v63  }
0xb3: {  	s24 =	simm.s32 @!p0 $0x13900  }
0xb4: {  	[tilespmem:s24], [sflag:$0x1] =	stream.indirect_vreg.gather @!p0 [hbm4b:s11+s21], $0x80, v3, vm1, $0xb8;
	[tilespmem:$0x14900] =	vst v63  }
0xb5: {  	s24 =	simm.s32 @!p0 $0x1  }
0xb6: {  	_ =	swait.ge @!p0 [sflag:s24], $0x4000  }
0xb7: {  	[sflag:s24] =	ssyncset.done @!p0 $0x0  }
0xb8: {  	s25 =	rddreg [dreg:$0xb];
	[sflag:s24] =	ssyncadd.s32 @!p0 $0xFFFFC000  }
0xb9: {  	[hbm4b:s25+s21] =	stream.linear.scatter @!p0 [tilespmem:s23], [sflag:$0x3], $0x4000, $0x38;
	[tilespmem:$0x14900] =	vst v63  }
0xba: {  	_ =	swait.ge @!p0 [sflag:s20], $0x4000  }
0xbb: {  	s26 =	simm.s32 @!p0 $0x14100;
	[sflag:s20] =	ssyncset.done @!p0 $0x0  }
0xbc: {  	s25 =	simm.s32 @!p0 $0x10;
	s23 =	rddreg [dreg:$0xa];
	[sflag:s20] =	ssyncadd.s32 @!p0 $0xFFFFC000  }
0xbd: {  	[tilespmem:s26], [sflag:$0x1] =	stream.indirect.gather @!p0 [hbm4b:s23+s25], $0x80, s22, s25, $0xb8;
	[tilespmem:$0x14900] =	vst v63  }
0xbe: {  	s12 =	sadd.s32 $0xFFFFFFFF, s12;
	_ =	swait.ge @!p0 [sflag:s24], $0x800  }
0xbf: {  	p1 =	sne.s32 s12, $0x0;
	[sflag:s24] =	ssyncset.done @!p0 $0x0  }
.Ltmp0:
0xc0: {  	s22 =	rddreg [dreg:$0xc];
	[sflag:s24] =	ssyncadd.s32 @!p0 $0xFFFFF800;
	(pc) =	sbr.rel @p1 .LBB2_1-.Ltmp0, $4  }
0xc1: {  	[hbm4b:s22+s21] =	stream.linear.scatter @!p0 [tilespmem:s26], [sflag:$0x3], $0x800, $0x38;
	[tilespmem:$0x14900] =	vst v63  }
0xc2: {  	_ =	swait.ge @!p0 [sflag:s20], $0x800  }
0xc3: {  	[sflag:s20] =	ssyncset.done @!p0 $0x0  }
0xc4: {  	[sflag:s20] =	ssyncadd.s32 @!p0 $0xFFFFF800  }
0xc5: {  	_ =	sfence.sel $0x180000  }
0xc6: {  	[bflag:$0x0] =	sbarrier.arrive $0xFFFF  }
0xc7: {  	p0 =	sne.s32 s2, $0x0;
	_ =	strace $0x90000047  }
0xc8: {  	s0 =	sadd.s32 @!p0 $0x100000, s3;
	[bflag:$0x2] =	sbarrier.arrive $0xFFFF  }
0xc9: {  	[sflag:s0] =	ssyncadd.tile.s32 @!p0 $0x1;
	_ =	shalt  }
.Lfunc_end2:
_tile_overlayer_lowered:
.L_overlay_start_2:
0xca: {  	(tag) =	ssettag $0x2  }
0xcb: {  	s0 =	rddreg [dreg:$0x0];
	s2 =	stileid.u32  }
0xcc: {  	s1 =	rddreg [dreg:$0x1];
	p0 =	sne.s32 s2, $0x0  }
0xcd: {  	s3 =	rddreg [dreg:$0x2];
	[bflag:$0x3] =	sbarrier.arrive $0xFFFF;
	s2 =	simm.s32 @!p0 $0x1C03  }
0xce: {  	[timem:s3], [sflag:s2] =	dma.local @!p0 [hbm:s0], s1  }
0xcf: {  	s0 =	simm.s32 @!p0 $0x3  }
0xd0: {  	_ =	swait.ge @!p0 [sflag:s0], s1  }
0xd1: {  	s1 =	ssub.s32 @!p0 $0x0, s1;
	[sflag:s0] =	ssyncset.done @!p0 $0x0  }
0xd2: {  	[sflag:s0] =	ssyncadd.s32 @!p0 s1  }
0xd3: {  	[bflag:$0x3] =	sbarrier.arrive $0xFFFF  }
0xd4: {  	_ =	shalt  }

</sc_bundles>
